<compile_context>
chip_gen: v7x
topology: tpu7x:2x2x1
jax: 0.10.2.dev20260603
libtpu: 0.0.44.dev20260713+nightly
codegen_flags: <defaults>
</compile_context>

<pallas_src>
import jax
import jax.numpy as jnp
from jax import lax
from jax.experimental import pallas as pl
from jax.experimental.pallas import tpu as pltpu
from jax.experimental.pallas import tpu_sc as plsc

_K = 8192
_C = 32
_TT = 1024
_KT = 2048
_COMMIT = 0.25


def _argmin_body(x_ref, cb_ref, x2_ref, y2_ref, idx_ref, sse_ref):
    i = pl.program_id(0)
    xb2 = -2.0 * x_ref[0]
    x2 = x2_ref[...]

    best_d = jnp.full((1, _TT), jnp.inf, jnp.float32)
    best_i = jnp.zeros((1, _TT), jnp.int32)
    for kc in range(_K // _KT):
        cb = cb_ref[pl.ds(kc * _KT, _KT), :]
        y2 = y2_ref[pl.ds(kc * _KT, _KT), :]
        xy2 = lax.dot_general(cb, xb2, (((1,), (0,)), ((), ())),
                              preferred_element_type=jnp.float32)
        ords = (x2 + y2) + xy2
        lm = jnp.min(ords, axis=0, keepdims=True)
        ki = lax.broadcasted_iota(jnp.int32, (_KT, _TT), 0)
        la = jnp.min(jnp.where(ords == lm, ki, _K), axis=0,
                     keepdims=True) + kc * _KT
        upd = lm < best_d
        best_d = jnp.where(upd, lm, best_d)
        best_i = jnp.where(upd, la, best_i)

    idx_ref[...] = best_i
    sse = jnp.sum(best_d).reshape(1, 1)

    @pl.when(i == 0)
    def _():
        sse_ref[...] = jnp.zeros((1, 1), jnp.float32)

    sse_ref[...] += sse


try:
    _SC_INFO = plsc.get_sparse_core_info()
    _NC, _NS = _SC_INFO.num_cores, _SC_INFO.num_subcores
except Exception:
    _NC, _NS = 2, 16
_NW = _NC * _NS
_BPW = _K // _NW


def _sc_gather(table_hbm, idx_hbm, out_hbm, idx_v, rows_v, sem):
    wid = lax.axis_index("s") * _NC + lax.axis_index("c")
    base = wid * _BPW
    pltpu.sync_copy(idx_hbm.at[0, pl.ds(base, _BPW)], idx_v)
    pltpu.async_copy(table_hbm.at[idx_v], rows_v, sem).wait()
    pltpu.sync_copy(rows_v, out_hbm.at[pl.ds(base, _BPW)])


def kernel(x, codebook):
    b, c, L = x.shape
    T = b * L
    xf = jnp.transpose(x, (1, 0, 2)).reshape(c, -1)
    X2 = jnp.sum(xf ** 2, axis=0, keepdims=True)
    Y2 = jnp.sum(codebook ** 2, axis=1, keepdims=True)

    n_t = T // _TT
    t_per_b = L // _TT
    idx2d, sse = pl.pallas_call(
        _argmin_body,
        grid=(n_t,),
        in_specs=[
            pl.BlockSpec((1, c, _TT), lambda i: (i // t_per_b, 0, i % t_per_b)),
            pl.BlockSpec((_K, _C), lambda i: (0, 0)),
            pl.BlockSpec((1, _TT), lambda i: (0, i)),
            pl.BlockSpec((_K, 1), lambda i: (0, 0)),
        ],
        out_specs=[
            pl.BlockSpec((1, _TT), lambda i: (0, i)),
            pl.BlockSpec((1, 1), lambda i: (0, 0)),
        ],
        out_shape=[
            jax.ShapeDtypeStruct((1, T), jnp.int32),
            jax.ShapeDtypeStruct((1, 1), jnp.float32),
        ],
    )(x, codebook, X2, Y2)

    mesh = plsc.VectorSubcoreMesh(core_axis_name="c", subcore_axis_name="s")
    q_rows = pl.kernel(
        _sc_gather,
        mesh=mesh,
        out_type=jax.ShapeDtypeStruct((T, _C), jnp.float32),
        scratch_types=[
            pltpu.VMEM((_BPW,), jnp.int32),
            pltpu.VMEM((_BPW, _C), jnp.float32),
            pltpu.SemaphoreType.DMA,
        ],
        compiler_params=pltpu.CompilerParams(use_tc_tiling_on_sc=False),
    )(codebook, idx2d)

    qs_out = jnp.transpose(q_rows.reshape(b, L, c), (0, 2, 1))
    m = sse[0, 0] / (c * T)
    loss = m + _COMMIT * m
    return (loss, qs_out)

# --- scband reference (transcript-rebuilt; emitter-appended) ---
"""Pipeline reference for scband-vq-14499809591797 (READ-ONLY COPY).

The authoritative reference and input builder live on the scoring server;
editing this copy changes nothing except your own understanding.
"""

import jax, jax.numpy as jnp
import numpy as np

CODES_CNT = 8192
CODES_DIM = 32
COMMIT_COST = 0.25


def setup_inputs(seed: int = 0) -> dict:
    key = jax.random.key(seed)
    k1, k2 = jax.random.split(key)
    x = jax.random.normal(k1, (8, CODES_DIM, 1024), dtype=jnp.float32)
    codebook = jax.random.normal(k2, (CODES_CNT, CODES_DIM), dtype=jnp.float32)
    return {"x": x, "codebook": codebook}


def reference(x, codebook):
    b, c, L = x.shape
    xf = jnp.transpose(x, (1, 0, 2)).reshape(c, -1)  # [c, T], T = b*L
    X2 = jnp.sum(xf ** 2, axis=0, keepdims=True)      # [1, T]
    Y2 = jnp.sum(codebook ** 2, axis=1, keepdims=True)  # [K, 1]
    XY = jnp.einsum('ct,dc->dt', xf, codebook)          # [K, T]
    ords = X2 + Y2 - 2.0 * XY                           # [K, T]
    enc_ind = jnp.argmin(ords, axis=0)                  # [T]
    qs = jnp.take(codebook, enc_ind, axis=0).T          # [c, T]
    x_det = jax.lax.stop_gradient(xf)
    qs_det = jax.lax.stop_gradient(qs)
    loss = jnp.mean((qs - x_det) ** 2) + COMMIT_COST * jnp.mean((qs_det - xf) ** 2)
    qs_st = xf + jax.lax.stop_gradient(qs - xf)
    qs_out = jnp.transpose(qs_st.reshape(c, b, L), (1, 0, 2))  # [b, c, L]
    return (loss, qs_out)

if __name__ == "__main__":
    import jax
    _d = setup_inputs()
    print(jax.jit(kernel)(*tuple(_d.values())))

</pallas_src>

<mosaic_0001>
#map = affine_map<(d0, d1) -> (0, 0)>
module attributes {stable_mosaic.version = 14 : i64} {
  func.func @_sc_gather(%arg0: i32, %arg1: i32, %arg2: memref<8192x32xf32, #tpu.memory_space<hbm>>, %arg3: memref<1x8192xi32, #tpu.memory_space<hbm>>, %arg4: memref<8192x32xf32, #tpu.memory_space<hbm>>, %arg5: memref<256xi32, #tpu.memory_space<vmem>>, %arg6: memref<256x32xf32, #tpu.memory_space<vmem>>, %arg7: memref<!tpu.dma_semaphore, #tpu.memory_space<semaphore_mem>>) attributes {dimension_semantics = [#tpu.dimension_semantics<core_parallel>, #tpu.dimension_semantics<subcore_parallel>], iteration_bounds = array<i64: 2, 16>, scalar_prefetch = 0 : i64, scratch_operands = 3 : i64, tpu.core_type = #tpu.core_type<sc_vector_subcore>, window_params = [{transform_indices = #map}, {transform_indices = #map}, {transform_indices = #map}]} {
    %mul3A = arith.constant 2 : i32
    %mul3A_0 = arith.muli %arg1, %mul3A : i32
    %add3A = arith.addi %mul3A_0, %arg0 : i32
    %mul3A_1 = arith.constant 256 : i32
    %mul3A_2 = arith.muli %add3A, %mul3A_1 : i32
    %run_scoped3A = arith.constant 0 : i32
    "tpu.region"() ({
      %run_scoped3A_7 = tpu.sem_alloc : memref<!tpu.dma_semaphore, #tpu.memory_space<semaphore_mem>>
      %dma_start3A_8 = tpu.memref_slice %arg3[%run_scoped3A, %mul3A_2] : memref<1x8192xi32, #tpu.memory_space<hbm>> -> memref<1x256xi32, #tpu.memory_space<hbm>>
      %dma_start3A_9 = tpu.memref_squeeze %dma_start3A_8 : memref<1x256xi32, #tpu.memory_space<hbm>> -> memref<256xi32, #tpu.memory_space<hbm>>
      %dma_start3A_10 = tpu.memref_slice %arg3[%run_scoped3A, %mul3A_2] : memref<1x8192xi32, #tpu.memory_space<hbm>> -> memref<1x256xi32, #tpu.memory_space<hbm>>
      %dma_start3A_11 = tpu.memref_squeeze %dma_start3A_10 : memref<1x256xi32, #tpu.memory_space<hbm>> -> memref<256xi32, #tpu.memory_space<hbm>>
      tpu.enqueue_dma source(%dma_start3A_11 : memref<256xi32, #tpu.memory_space<hbm>>) target(%arg5 : memref<256xi32, #tpu.memory_space<vmem>>) target_semaphore(%run_scoped3A_7 : memref<!tpu.dma_semaphore, #tpu.memory_space<semaphore_mem>>)
      %dma_wait3A_12 = tpu.memref_slice %arg3[%run_scoped3A, %mul3A_2] : memref<1x8192xi32, #tpu.memory_space<hbm>> -> memref<1x256xi32, #tpu.memory_space<hbm>>
      %dma_wait3A_13 = tpu.memref_squeeze %dma_wait3A_12 : memref<1x256xi32, #tpu.memory_space<hbm>> -> memref<256xi32, #tpu.memory_space<hbm>>
      %dma_wait3A_14 = tpu.memref_slice %arg3[%run_scoped3A, %mul3A_2] : memref<1x8192xi32, #tpu.memory_space<hbm>> -> memref<1x256xi32, #tpu.memory_space<hbm>>
      %dma_wait3A_15 = tpu.memref_squeeze %dma_wait3A_14 : memref<1x256xi32, #tpu.memory_space<hbm>> -> memref<256xi32, #tpu.memory_space<hbm>>
      tpu.wait_dma2 semaphore(%run_scoped3A_7 : memref<!tpu.dma_semaphore, #tpu.memory_space<semaphore_mem>>) src(%dma_wait3A_15 : memref<256xi32, #tpu.memory_space<hbm>>) dst(%arg5 : memref<256xi32, #tpu.memory_space<vmem>>)
      tpu.yield
    }) : () -> ()
    %dma_start3A = arith.constant 0 : i32
    %dma_start3A_3 = arith.constant 0 : i32
    %dma_start3A_4 = tpu.memref_slice %arg2[%dma_start3A, %dma_start3A_3] : memref<8192x32xf32, #tpu.memory_space<hbm>> -> memref<8192x32xf32, #tpu.memory_space<hbm>>
    tpu.enqueue_indirect_dma source(%dma_start3A_4 : memref<8192x32xf32, #tpu.memory_space<hbm>>) target(%arg6 : memref<256x32xf32, #tpu.memory_space<vmem>>) offsets(%arg5 : memref<256xi32, #tpu.memory_space<vmem>>) semaphore(%arg7 : memref<!tpu.dma_semaphore, #tpu.memory_space<semaphore_mem>>)
    %dma_wait3A = arith.constant 0 : i32
    %dma_wait3A_5 = arith.constant 0 : i32
    %dma_wait3A_6 = tpu.memref_slice %arg2[%dma_wait3A, %dma_wait3A_5] : memref<8192x32xf32, #tpu.memory_space<hbm>> -> memref<8192x32xf32, #tpu.memory_space<hbm>>
    tpu.wait_indirect_dma semaphore(%arg7 : memref<!tpu.dma_semaphore, #tpu.memory_space<semaphore_mem>>) src(%dma_wait3A_6 : memref<8192x32xf32, #tpu.memory_space<hbm>>) dst(%arg6 : memref<256x32xf32, #tpu.memory_space<vmem>>)
    "tpu.region"() ({
      %run_scoped3A_7 = tpu.sem_alloc : memref<!tpu.dma_semaphore, #tpu.memory_space<semaphore_mem>>
      %dma_start3A_8 = arith.constant 0 : i32
      %dma_start3A_9 = tpu.memref_slice %arg4[%mul3A_2, %dma_start3A_8] : memref<8192x32xf32, #tpu.memory_space<hbm>> -> memref<256x32xf32, #tpu.memory_space<hbm>>
      %dma_start3A_10 = arith.constant 0 : i32
      %dma_start3A_11 = tpu.memref_slice %arg4[%mul3A_2, %dma_start3A_10] : memref<8192x32xf32, #tpu.memory_space<hbm>> -> memref<256x32xf32, #tpu.memory_space<hbm>>
      tpu.enqueue_dma source(%arg6 : memref<256x32xf32, #tpu.memory_space<vmem>>) target(%dma_start3A_11 : memref<256x32xf32, #tpu.memory_space<hbm>>) target_semaphore(%run_scoped3A_7 : memref<!tpu.dma_semaphore, #tpu.memory_space<semaphore_mem>>)
      %dma_wait3A_12 = arith.constant 0 : i32
      %dma_wait3A_13 = tpu.memref_slice %arg4[%mul3A_2, %dma_wait3A_12] : memref<8192x32xf32, #tpu.memory_space<hbm>> -> memref<256x32xf32, #tpu.memory_space<hbm>>
      %dma_wait3A_14 = arith.constant 0 : i32
      %dma_wait3A_15 = tpu.memref_slice %arg4[%mul3A_2, %dma_wait3A_14] : memref<8192x32xf32, #tpu.memory_space<hbm>> -> memref<256x32xf32, #tpu.memory_space<hbm>>
      tpu.wait_dma2 semaphore(%run_scoped3A_7 : memref<!tpu.dma_semaphore, #tpu.memory_space<semaphore_mem>>) src(%arg6 : memref<256x32xf32, #tpu.memory_space<vmem>>) dst(%dma_wait3A_15 : memref<256x32xf32, #tpu.memory_space<hbm>>)
      tpu.yield
    }) : () -> ()
    return
  }
}

module attributes {stable_mosaic.version = 14 : i64} {
  func.func @_argmin_body(%arg0: i32, %arg1: memref<1x32x1024xf32, #tpu.memory_space<vmem>>, %arg2: memref<8192x32xf32, #tpu.memory_space<vmem>>, %arg3: memref<1x1024xf32, #tpu.memory_space<vmem>>, %arg4: memref<8192x1xf32, #tpu.memory_space<vmem>>, %arg5: memref<1x1024xi32, #tpu.memory_space<vmem>>, %arg6: memref<1x1xf32, #tpu.memory_space<vmem>>) attributes {dimension_semantics = [#tpu.dimension_semantics<arbitrary>], iteration_bounds = array<i64: 8>, scalar_prefetch = 0 : i64, scratch_operands = 0 : i64, tpu.core_type = #tpu.core_type<tc>, window_params = [{transform_indices = @transform_0, window_bounds = array<i64: 1, 32, 1024>}, {pipeline_mode = #tpu.pipeline_mode<synchronous>, transform_indices = @transform_1, window_bounds = array<i64: 8192, 32>}, {transform_indices = @transform_2, window_bounds = array<i64: 1, 1024>}, {pipeline_mode = #tpu.pipeline_mode<synchronous>, transform_indices = @transform_3, window_bounds = array<i64: 8192, 1>}, {transform_indices = @transform_4, window_bounds = array<i64: 1, 1024>}, {pipeline_mode = #tpu.pipeline_mode<synchronous>, transform_indices = @transform_5, window_bounds = array<i64: 1, 1>}]} {
    %get3A = arith.constant 0 : index
    %get3A_0 = arith.constant 0 : index
    %get3A_1 = arith.constant 0 : index
    %get3A_2 = vector.load %arg1[%get3A, %get3A_0, %get3A_1] : memref<1x32x1024xf32, #tpu.memory_space<vmem>>, vector<1x32x1024xf32>
    %get3A_3 = vector.shape_cast %get3A_2 : vector<1x32x1024xf32> to vector<32x1024xf32>
    %mul3A = arith.constant -2.000000e+00 : f32
    %mul3A_4 = vector.broadcast %mul3A : f32 to vector<32x1024xf32>
    %mul3A_5 = arith.mulf %mul3A_4, %get3A_3 : vector<32x1024xf32>
    %get3A_6 = arith.constant 0 : index
    %get3A_7 = arith.constant 0 : index
    %get3A_8 = vector.load %arg3[%get3A_6, %get3A_7] : memref<1x1024xf32, #tpu.memory_space<vmem>>, vector<1x1024xf32>
    %broadcast_in_dim3A = arith.constant 0x7F800000 : f32
    %broadcast_in_dim3A_9 = vector.broadcast %broadcast_in_dim3A : f32 to vector<1x1024xf32>
    %broadcast_in_dim3A_10 = arith.constant 0 : i32
    %broadcast_in_dim3A_11 = vector.broadcast %broadcast_in_dim3A_10 : i32 to vector<1x1024xi32>
    %get3A_12 = arith.constant 0 : index
    %get3A_13 = arith.constant 0 : index
    %get3A_14 = vector.load %arg2[%get3A_12, %get3A_13] : memref<8192x32xf32, #tpu.memory_space<vmem>>, vector<2048x32xf32>
    %get3A_15 = arith.constant 0 : index
    %get3A_16 = arith.constant 0 : index
    %get3A_17 = vector.load %arg4[%get3A_15, %get3A_16] : memref<8192x1xf32, #tpu.memory_space<vmem>>, vector<2048x1xf32>
    %dot_general3A = arith.constant dense<0.000000e+00> : vector<2048x1024xf32>
    %dot_general3A_18 = tpu.matmul %get3A_14, %mul3A_5, %dot_general3A {dimension_numbers = #tpu.dot_dimension_numbers<[1], [0], [0], [1], [0, 0, 1, 1], [], []>, transpose_lhs_hint = false} : vector<2048x32xf32>, vector<32x1024xf32>, vector<2048x1024xf32> -> vector<2048x1024xf32>
    %add3A = vector.broadcast %get3A_8 : vector<1x1024xf32> to vector<2048x1024xf32>
    %add3A_19 = vector.broadcast %get3A_17 : vector<2048x1xf32> to vector<2048x1024xf32>
    %add3A_20 = arith.addf %add3A, %add3A_19 : vector<2048x1024xf32>
    %add3A_21 = arith.addf %add3A_20, %dot_general3A_18 : vector<2048x1024xf32>
    %reduce_min3A = arith.constant dense<0x7F800000> : vector<1024xf32>
    %reduce_min3A_22 = vector.multi_reduction <minimumf>, %add3A_21, %reduce_min3A [0] : vector<2048x1024xf32> to vector<1024xf32>
    %broadcast_in_dim3A_23 = vector.shape_cast %reduce_min3A_22 : vector<1024xf32> to vector<1x1024xf32>
    %iota3A = tpu.iota {dimensions = array<i32: 0>} : vector<2048x1024xi32>
    %eq3A = vector.broadcast %broadcast_in_dim3A_23 : vector<1x1024xf32> to vector<2048x1024xf32>
    %eq3A_24 = arith.cmpf oeq, %add3A_21, %eq3A : vector<2048x1024xf32>
    %jit3A = arith.constant 8192 : i32
    %broadcast_in_dim3A_25 = vector.broadcast %jit3A : i32 to vector<2048x1024xi32>
    %select_n3A = arith.select %eq3A_24, %iota3A, %broadcast_in_dim3A_25 : vector<2048x1024xi1>, vector<2048x1024xi32>
    %reduce_min3A_26 = arith.constant dense<2147483647> : vector<1024xi32>
    %reduce_min3A_27 = vector.multi_reduction <minsi>, %select_n3A, %reduce_min3A_26 [0] : vector<2048x1024xi32> to vector<1024xi32>
    %broadcast_in_dim3A_28 = vector.shape_cast %reduce_min3A_27 : vector<1024xi32> to vector<1x1024xi32>
    %add3A_29 = arith.constant 0 : i32
    %add3A_30 = vector.broadcast %add3A_29 : i32 to vector<1x1024xi32>
    %add3A_31 = arith.addi %broadcast_in_dim3A_28, %add3A_30 : vector<1x1024xi32>
    %lt3A = arith.cmpf olt, %broadcast_in_dim3A_23, %broadcast_in_dim3A_9 : vector<1x1024xf32>
    %select_n3A_32 = arith.select %lt3A, %broadcast_in_dim3A_23, %broadcast_in_dim3A_9 : vector<1x1024xi1>, vector<1x1024xf32>
    %select_n3A_33 = arith.select %lt3A, %add3A_31, %broadcast_in_dim3A_11 : vector<1x1024xi1>, vector<1x1024xi32>
    %get3A_34 = arith.constant 2048 : index
    %get3A_35 = arith.constant 0 : index
    %get3A_36 = vector.load %arg2[%get3A_34, %get3A_35] : memref<8192x32xf32, #tpu.memory_space<vmem>>, vector<2048x32xf32>
    %get3A_37 = arith.constant 2048 : index
    %get3A_38 = arith.constant 0 : index
    %get3A_39 = vector.load %arg4[%get3A_37, %get3A_38] : memref<8192x1xf32, #tpu.memory_space<vmem>>, vector<2048x1xf32>
    %dot_general3A_40 = arith.constant dense<0.000000e+00> : vector<2048x1024xf32>
    %dot_general3A_41 = tpu.matmul %get3A_36, %mul3A_5, %dot_general3A_40 {dimension_numbers = #tpu.dot_dimension_numbers<[1], [0], [0], [1], [0, 0, 1, 1], [], []>, transpose_lhs_hint = false} : vector<2048x32xf32>, vector<32x1024xf32>, vector<2048x1024xf32> -> vector<2048x1024xf32>
    %add3A_42 = vector.broadcast %get3A_8 : vector<1x1024xf32> to vector<2048x1024xf32>
    %add3A_43 = vector.broadcast %get3A_39 : vector<2048x1xf32> to vector<2048x1024xf32>
    %add3A_44 = arith.addf %add3A_42, %add3A_43 : vector<2048x1024xf32>
    %add3A_45 = arith.addf %add3A_44, %dot_general3A_41 : vector<2048x1024xf32>
    %reduce_min3A_46 = arith.constant dense<0x7F800000> : vector<1024xf32>
    %reduce_min3A_47 = vector.multi_reduction <minimumf>, %add3A_45, %reduce_min3A_46 [0] : vector<2048x1024xf32> to vector<1024xf32>
    %broadcast_in_dim3A_48 = vector.shape_cast %reduce_min3A_47 : vector<1024xf32> to vector<1x1024xf32>
    %iota3A_49 = tpu.iota {dimensions = array<i32: 0>} : vector<2048x1024xi32>
    %eq3A_50 = vector.broadcast %broadcast_in_dim3A_48 : vector<1x1024xf32> to vector<2048x1024xf32>
    %eq3A_51 = arith.cmpf oeq, %add3A_45, %eq3A_50 : vector<2048x1024xf32>
    %jit3A_52 = arith.constant 8192 : i32
    %broadcast_in_dim3A_53 = vector.broadcast %jit3A_52 : i32 to vector<2048x1024xi32>
    %select_n3A_54 = arith.select %eq3A_51, %iota3A_49, %broadcast_in_dim3A_53 : vector<2048x1024xi1>, vector<2048x1024xi32>
    %reduce_min3A_55 = arith.constant dense<2147483647> : vector<1024xi32>
    %reduce_min3A_56 = vector.multi_reduction <minsi>, %select_n3A_54, %reduce_min3A_55 [0] : vector<2048x1024xi32> to vector<1024xi32>
    %broadcast_in_dim3A_57 = vector.shape_cast %reduce_min3A_56 : vector<1024xi32> to vector<1x1024xi32>
    %add3A_58 = arith.constant 2048 : i32
    %add3A_59 = vector.broadcast %add3A_58 : i32 to vector<1x1024xi32>
    %add3A_60 = arith.addi %broadcast_in_dim3A_57, %add3A_59 : vector<1x1024xi32>
    %lt3A_61 = arith.cmpf olt, %broadcast_in_dim3A_48, %select_n3A_32 : vector<1x1024xf32>
    %select_n3A_62 = arith.select %lt3A_61, %broadcast_in_dim3A_48, %select_n3A_32 : vector<1x1024xi1>, vector<1x1024xf32>
    %select_n3A_63 = arith.select %lt3A_61, %add3A_60, %select_n3A_33 : vector<1x1024xi1>, vector<1x1024xi32>
    %get3A_64 = arith.constant 4096 : index
    %get3A_65 = arith.constant 0 : index
    %get3A_66 = vector.load %arg2[%get3A_64, %get3A_65] : memref<8192x32xf32, #tpu.memory_space<vmem>>, vector<2048x32xf32>
    %get3A_67 = arith.constant 4096 : index
    %get3A_68 = arith.constant 0 : index
    %get3A_69 = vector.load %arg4[%get3A_67, %get3A_68] : memref<8192x1xf32, #tpu.memory_space<vmem>>, vector<2048x1xf32>
    %dot_general3A_70 = arith.constant dense<0.000000e+00> : vector<2048x1024xf32>
    %dot_general3A_71 = tpu.matmul %get3A_66, %mul3A_5, %dot_general3A_70 {dimension_numbers = #tpu.dot_dimension_numbers<[1], [0], [0], [1], [0, 0, 1, 1], [], []>, transpose_lhs_hint = false} : vector<2048x32xf32>, vector<32x1024xf32>, vector<2048x1024xf32> -> vector<2048x1024xf32>
    %add3A_72 = vector.broadcast %get3A_8 : vector<1x1024xf32> to vector<2048x1024xf32>
    %add3A_73 = vector.broadcast %get3A_69 : vector<2048x1xf32> to vector<2048x1024xf32>
    %add3A_74 = arith.addf %add3A_72, %add3A_73 : vector<2048x1024xf32>
    %add3A_75 = arith.addf %add3A_74, %dot_general3A_71 : vector<2048x1024xf32>
    %reduce_min3A_76 = arith.constant dense<0x7F800000> : vector<1024xf32>
    %reduce_min3A_77 = vector.multi_reduction <minimumf>, %add3A_75, %reduce_min3A_76 [0] : vector<2048x1024xf32> to vector<1024xf32>
    %broadcast_in_dim3A_78 = vector.shape_cast %reduce_min3A_77 : vector<1024xf32> to vector<1x1024xf32>
    %iota3A_79 = tpu.iota {dimensions = array<i32: 0>} : vector<2048x1024xi32>
    %eq3A_80 = vector.broadcast %broadcast_in_dim3A_78 : vector<1x1024xf32> to vector<2048x1024xf32>
    %eq3A_81 = arith.cmpf oeq, %add3A_75, %eq3A_80 : vector<2048x1024xf32>
    %jit3A_82 = arith.constant 8192 : i32
    %broadcast_in_dim3A_83 = vector.broadcast %jit3A_82 : i32 to vector<2048x1024xi32>
    %select_n3A_84 = arith.select %eq3A_81, %iota3A_79, %broadcast_in_dim3A_83 : vector<2048x1024xi1>, vector<2048x1024xi32>
    %reduce_min3A_85 = arith.constant dense<2147483647> : vector<1024xi32>
    %reduce_min3A_86 = vector.multi_reduction <minsi>, %select_n3A_84, %reduce_min3A_85 [0] : vector<2048x1024xi32> to vector<1024xi32>
    %broadcast_in_dim3A_87 = vector.shape_cast %reduce_min3A_86 : vector<1024xi32> to vector<1x1024xi32>
    %add3A_88 = arith.constant 4096 : i32
    %add3A_89 = vector.broadcast %add3A_88 : i32 to vector<1x1024xi32>
    %add3A_90 = arith.addi %broadcast_in_dim3A_87, %add3A_89 : vector<1x1024xi32>
    %lt3A_91 = arith.cmpf olt, %broadcast_in_dim3A_78, %select_n3A_62 : vector<1x1024xf32>
    %select_n3A_92 = arith.select %lt3A_91, %broadcast_in_dim3A_78, %select_n3A_62 : vector<1x1024xi1>, vector<1x1024xf32>
    %select_n3A_93 = arith.select %lt3A_91, %add3A_90, %select_n3A_63 : vector<1x1024xi1>, vector<1x1024xi32>
    %get3A_94 = arith.constant 6144 : index
    %get3A_95 = arith.constant 0 : index
    %get3A_96 = vector.load %arg2[%get3A_94, %get3A_95] : memref<8192x32xf32, #tpu.memory_space<vmem>>, vector<2048x32xf32>
    %get3A_97 = arith.constant 6144 : index
    %get3A_98 = arith.constant 0 : index
    %get3A_99 = vector.load %arg4[%get3A_97, %get3A_98] : memref<8192x1xf32, #tpu.memory_space<vmem>>, vector<2048x1xf32>
    %dot_general3A_100 = arith.constant dense<0.000000e+00> : vector<2048x1024xf32>
    %dot_general3A_101 = tpu.matmul %get3A_96, %mul3A_5, %dot_general3A_100 {dimension_numbers = #tpu.dot_dimension_numbers<[1], [0], [0], [1], [0, 0, 1, 1], [], []>, transpose_lhs_hint = false} : vector<2048x32xf32>, vector<32x1024xf32>, vector<2048x1024xf32> -> vector<2048x1024xf32>
    %add3A_102 = vector.broadcast %get3A_8 : vector<1x1024xf32> to vector<2048x1024xf32>
    %add3A_103 = vector.broadcast %get3A_99 : vector<2048x1xf32> to vector<2048x1024xf32>
    %add3A_104 = arith.addf %add3A_102, %add3A_103 : vector<2048x1024xf32>
    %add3A_105 = arith.addf %add3A_104, %dot_general3A_101 : vector<2048x1024xf32>
    %reduce_min3A_106 = arith.constant dense<0x7F800000> : vector<1024xf32>
    %reduce_min3A_107 = vector.multi_reduction <minimumf>, %add3A_105, %reduce_min3A_106 [0] : vector<2048x1024xf32> to vector<1024xf32>
    %broadcast_in_dim3A_108 = vector.shape_cast %reduce_min3A_107 : vector<1024xf32> to vector<1x1024xf32>
    %iota3A_109 = tpu.iota {dimensions = array<i32: 0>} : vector<2048x1024xi32>
    %eq3A_110 = vector.broadcast %broadcast_in_dim3A_108 : vector<1x1024xf32> to vector<2048x1024xf32>
    %eq3A_111 = arith.cmpf oeq, %add3A_105, %eq3A_110 : vector<2048x1024xf32>
    %jit3A_112 = arith.constant 8192 : i32
    %broadcast_in_dim3A_113 = vector.broadcast %jit3A_112 : i32 to vector<2048x1024xi32>
    %select_n3A_114 = arith.select %eq3A_111, %iota3A_109, %broadcast_in_dim3A_113 : vector<2048x1024xi1>, vector<2048x1024xi32>
    %reduce_min3A_115 = arith.constant dense<2147483647> : vector<1024xi32>
    %reduce_min3A_116 = vector.multi_reduction <minsi>, %select_n3A_114, %reduce_min3A_115 [0] : vector<2048x1024xi32> to vector<1024xi32>
    %broadcast_in_dim3A_117 = vector.shape_cast %reduce_min3A_116 : vector<1024xi32> to vector<1x1024xi32>
    %add3A_118 = arith.constant 6144 : i32
    %add3A_119 = vector.broadcast %add3A_118 : i32 to vector<1x1024xi32>
    %add3A_120 = arith.addi %broadcast_in_dim3A_117, %add3A_119 : vector<1x1024xi32>
    %lt3A_121 = arith.cmpf olt, %broadcast_in_dim3A_108, %select_n3A_92 : vector<1x1024xf32>
    %select_n3A_122 = arith.select %lt3A_121, %broadcast_in_dim3A_108, %select_n3A_92 : vector<1x1024xi1>, vector<1x1024xf32>
    %select_n3A_123 = arith.select %lt3A_121, %add3A_120, %select_n3A_93 : vector<1x1024xi1>, vector<1x1024xi32>
    %swap3A = arith.constant 0 : index
    %swap3A_124 = arith.constant 0 : index
    %swap3A_125 = vector.load %arg5[%swap3A, %swap3A_124] : memref<1x1024xi32, #tpu.memory_space<vmem>>, vector<1x1024xi32>
    tpu.vector_store %arg5[%swap3A, %swap3A_124], %select_n3A_123 {strides = array<i32>} : memref<1x1024xi32, #tpu.memory_space<vmem>>, vector<1x1024xi32>,
    %reduce_sum3A = vector.shape_cast %select_n3A_122 : vector<1x1024xf32> to vector<1x1x1024xf32>
    %reduce_sum3A_126 = arith.constant dense<0.000000e+00> : vector<1xf32>
    %reduce_sum3A_127 = vector.multi_reduction <add>, %reduce_sum3A, %reduce_sum3A_126 [1, 2] : vector<1x1x1024xf32> to vector<1xf32>
    %reduce_sum3A_128 = vector.shape_cast %reduce_sum3A_127 : vector<1xf32> to vector<1x1x1xf32>
    %reduce_sum3A_129 = vector.extract %reduce_sum3A_128[0, 0, 0] : f32 from vector<1x1x1xf32>
    %reshape3A = vector.broadcast %reduce_sum3A_129 : f32 to vector<1x1xf32>
    %eq3A_130 = arith.constant 0 : i32
    %eq3A_131 = arith.cmpi eq, %arg0, %eq3A_130 : i32
    %convert_element_type3A = arith.extui %eq3A_131 : i1 to i32
    %cond3A = arith.constant 0 : i32
    %cond3A_132 = arith.cmpi ne, %convert_element_type3A, %cond3A : i32
    scf.if %cond3A_132 {
      %broadcast_in_dim3A_140 = arith.constant 0.000000e+00 : f32
      %broadcast_in_dim3A_141 = vector.broadcast %broadcast_in_dim3A_140 : f32 to vector<1x1xf32>
      %swap3A_142 = arith.constant 0 : index
      %swap3A_143 = arith.constant 0 : index
      %swap3A_144 = vector.load %arg6[%swap3A_142, %swap3A_143] : memref<1x1xf32, #tpu.memory_space<vmem>>, vector<1x1xf32>
      tpu.vector_store %arg6[%swap3A_142, %swap3A_143], %broadcast_in_dim3A_141 {strides = array<i32>} : memref<1x1xf32, #tpu.memory_space<vmem>>, vector<1x1xf32>,
    } else {
    }
    %get3A_133 = arith.constant 0 : index
    %get3A_134 = arith.constant 0 : index
    %get3A_135 = vector.load %arg6[%get3A_133, %get3A_134] : memref<1x1xf32, #tpu.memory_space<vmem>>, vector<1x1xf32>
    %add3A_136 = arith.addf %get3A_135, %reshape3A : vector<1x1xf32>
    %swap3A_137 = arith.constant 0 : index
    %swap3A_138 = arith.constant 0 : index
    %swap3A_139 = vector.load %arg6[%swap3A_137, %swap3A_138] : memref<1x1xf32, #tpu.memory_space<vmem>>, vector<1x1xf32>
    tpu.vector_store %arg6[%swap3A_137, %swap3A_138], %add3A_136 {strides = array<i32>} : memref<1x1xf32, #tpu.memory_space<vmem>>, vector<1x1xf32>,
    return
  }
  func.func @transform_0(%arg0: i32) -> (i32, i32, i32) {
    %jit3A = arith.constant 1 : i32
    %div3A = arith.divsi %arg0, %jit3A : i32
    %sign3A = arith.constant 0 : i32
    %sign3A_0 = arith.cmpi sgt, %arg0, %sign3A : i32
    %sign3A_1 = arith.extui %sign3A_0 : i1 to i32
    %sign3A_2 = arith.constant 0 : i32
    %sign3A_3 = arith.cmpi slt, %arg0, %sign3A_2 : i32
    %sign3A_4 = arith.extui %sign3A_3 : i1 to i32
    %sign3A_5 = arith.subi %sign3A_1, %sign3A_4 : i32
    %sign3A_6 = arith.constant 0 : i32
    %sign3A_7 = arith.cmpi sgt, %jit3A, %sign3A_6 : i32
    %sign3A_8 = arith.extui %sign3A_7 : i1 to i32
    %sign3A_9 = arith.constant 0 : i32
    %sign3A_10 = arith.cmpi slt, %jit3A, %sign3A_9 : i32
    %sign3A_11 = arith.extui %sign3A_10 : i1 to i32
    %sign3A_12 = arith.subi %sign3A_8, %sign3A_11 : i32
    %ne3A = arith.cmpi ne, %sign3A_5, %sign3A_12 : i32
    %rem3A = arith.remsi %arg0, %jit3A : i32
    %ne3A_13 = arith.constant 0 : i32
    %ne3A_14 = arith.cmpi ne, %rem3A, %ne3A_13 : i32
    %and3A = arith.andi %ne3A, %ne3A_14 : i1
    %sub3A = arith.constant 1 : i32
    %sub3A_15 = arith.subi %div3A, %sub3A : i32
    %select_n3A = arith.select %and3A, %sub3A_15, %div3A : i32
    %jit3A_16 = arith.constant 1 : i32
    %eq3A = arith.constant 0 : i32
    %eq3A_17 = arith.cmpi eq, %jit3A_16, %eq3A : i32
    %jit3A_18 = arith.constant 1 : i32
    %select_n3A_19 = arith.select %eq3A_17, %jit3A_18, %jit3A_16 : i32
    %rem3A_20 = arith.remsi %arg0, %select_n3A_19 : i32
    %ne3A_21 = arith.constant 0 : i32
    %ne3A_22 = arith.cmpi ne, %rem3A_20, %ne3A_21 : i32
    %lt3A = arith.constant 0 : i32
    %lt3A_23 = arith.cmpi slt, %rem3A_20, %lt3A : i32
    %lt3A_24 = arith.constant 0 : i32
    %lt3A_25 = arith.cmpi slt, %select_n3A_19, %lt3A_24 : i32
    %ne3A_26 = arith.xori %lt3A_23, %lt3A_25 : i1
    %and3A_27 = arith.andi %ne3A_26, %ne3A_22 : i1
    %add3A = arith.addi %rem3A_20, %select_n3A_19 : i32
    %select_n3A_28 = arith.select %and3A_27, %add3A, %rem3A_20 : i32
    %c0_i32 = arith.constant 0 : i32
    %c0_i32_29 = arith.constant 0 : i32
    return %select_n3A, %c0_i32, %select_n3A_28 : i32, i32, i32
  }
  func.func @transform_1(%arg0: i32) -> (i32, i32) {
    %c0_i32 = arith.constant 0 : i32
    %c0_i32_0 = arith.constant 0 : i32
    %c0_i32_1 = arith.constant 0 : i32
    return %c0_i32, %c0_i32_0 : i32, i32
  }
  func.func @transform_2(%arg0: i32) -> (i32, i32) {
    %c0_i32 = arith.constant 0 : i32
    %c0_i32_0 = arith.constant 0 : i32
    return %c0_i32, %arg0 : i32, i32
  }
  func.func @transform_3(%arg0: i32) -> (i32, i32) {
    %c0_i32 = arith.constant 0 : i32
    %c0_i32_0 = arith.constant 0 : i32
    %c0_i32_1 = arith.constant 0 : i32
    return %c0_i32, %c0_i32_0 : i32, i32
  }
  func.func @transform_4(%arg0: i32) -> (i32, i32) {
    %c0_i32 = arith.constant 0 : i32
    %c0_i32_0 = arith.constant 0 : i32
    return %c0_i32, %arg0 : i32, i32
  }
  func.func @transform_5(%arg0: i32) -> (i32, i32) {
    %c0_i32 = arith.constant 0 : i32
    %c0_i32_0 = arith.constant 0 : i32
    %c0_i32_1 = arith.constant 0 : i32
    return %c0_i32, %c0_i32_0 : i32, i32
  }
}

</mosaic_0001>

<sc_bundles>
// kernel: kernel.4.cloned.1.call-start
scs
__scs_entry_jumppad:
0x0: {  	(pc) =	sbr.rel $0x88, $3  }
0x1: {  	(tag) =	ssettag $0x0;
	lr =	simm.s32 $0x1  }
0x2: {  	[smem:$0x3F9F] =	sst lr;
	_ =	strace $0xD0000000  }
0x3: {  	_ = 	snop  }
0x4: {  	_ = 	snop  }
0x5: {  	_ = 	snop  }
0x6: {  	_ = 	snop  }
0x7: {  	_ = 	snop  }
__scs_overlays_trampoline_lowered:
0x8: {  	[smem:$0x3FAE] =	sst s0  }
0x9: {  	[smem:$0x3FAF] =	sst s1  }
0xa: {  	[smem:$0x3FB0] =	sst s2  }
0xb: {  	[smem:$0x3FB1] =	sst s3  }
0xc: {  	[smem:$0x3FB2] =	sst s4  }
0xd: {  	[smem:$0x3FB3] =	sst s5  }
0xe: {  	[smem:$0x3FB4] =	sst s6  }
0xf: {  	[smem:$0x3FB5] =	sst s7  }
0x10: {  	[smem:$0x3FB6] =	sst s8  }
0x11: {  	[smem:$0x3FB7] =	sst s9;
	s0 =	simm.s32 @!p0 $0x0  }
0x12: {  	s1 =	sld [smem:$0x3F9D];
	s0 =	simm.s32 @p0 $0x1  }
0x13: {  	[smem:$0x3FB8] =	sst s0;
	s0 =	simm.s32 @!p1 $0x0  }
0x14: {  	s2 =	sld [smem:$0x3F9C];
	s0 =	simm.s32 @p1 $0x1  }
0x15: {  	[smem:$0x3FB9] =	sst s0;
	s0 =	simm.s32 @!p2 $0x0  }
0x16: {  	s3 =	sld [smem:$0x3FDB];
	s0 =	simm.s32 @p2 $0x1  }
0x17: {  	s4 =	simm.s32 $0x1BF5;
	[smem:$0x3FBB] =	sst s0  }
0x18: {  	s0 =	sld [smem:$0x3F9E];
	_ =	swait.ge [sflag:s4], $0x0  }
0x19: {  	s7 =	sld [smem:$0x3F9F]  }
0x1a: {  	s8 =	sadd.s32 $0xFFFFE003, lr  }
0x1b: {  	s9 =	sadd.s32 $0xFFFFFEF7, lr;
	s5 =	simm.s32 $0xFFFFFFFF;
	p2 =	slt.u32 s8, $0xFFFFF086  }
0x1c: {  	p1 =	slt.u32 s9, $0xF7A;
	s5 =	simm.s32 @!p2 $0x0  }
0x1d: {  	s5 =	simm.s32 @p1 $0x1;
	p0 =	seq.s32 s7, s2  }
0x1e: {  	s7 =	smul.u32 @!p0 $0xF7A, s2;
	p2 =	seq.s32 @!p0 s5, $0x0  }
0x1f: {  	s9 =	smul.u32 $0xF7A, s1;
	s8 =	simm.s32 @!p0 $0x1BF5;
	p2 =	por !p2, p0  }
0x20: {  	[sflag:s8] =	ssyncset.s32 @!p0 $0xFFFFF086;
	s6 =	sadd.s32 @!p0 s3, s7;
	s7 =	simm.s32 @!p0 $0x108  }
0x21: {  	s3 =	sadd.s32 s3, s9;
	s6 =	sadd.s32 @!p0 $0x88, s6;
	s7 =	simm.s32 @p2 $0x1082  }
0x22: {  	[simem:s7], [sflag:s8] =	dma.local @!p0 [hbm:s6], $0xF7A  }
0x23: {  	s9 =	sor.u32 $0xD0000000, s2;
	s6 =	simm.s32 $0x108;
	_ =	swait.ge @!p0 [sflag:s8], $0x0  }
0x24: {  	s3 =	sadd.s32 $0x88, s3;
	s6 =	simm.s32 @!p1 $0x1082;
	[sflag:s4] =	ssyncset.s32 $0xFFFFF086  }
0x25: {  	[simem:s6], [sflag:s4] =	dma.local [hbm:s3], $0xF7A  }
0x26: {  	[smem:$0x3F9F] =	sst s1;
	(tag) =	ssettag s2;
	_ =	strace s9  }
0x27: {  	s1 =	sld [smem:$0x3FAF]  }
0x28: {  	s2 =	sld [smem:$0x3FB0]  }
0x29: {  	s4 =	sld [smem:$0x3FB2]  }
0x2a: {  	p0 =	seq.s32 s5, $0x0;
	s5 =	sld [smem:$0x3FB3]  }
0x2b: {  	s6 =	sld [smem:$0x3FB4]  }
0x2c: {  	s7 =	sld [smem:$0x3FB5]  }
0x2d: {  	s3 =	simm.s32 $0x108;
	s8 =	sld [smem:$0x3FB6]  }
0x2e: {  	s3 =	simm.s32 @!p0 $0x1082;
	s9 =	sld [smem:$0x3FB7]  }
0x2f: {  	lr =	sadd.s32 s0, s3;
	s0 =	sld [smem:$0x3FAE]  }
0x30: {  	s3 =	sld [smem:$0x3FB1]  }
0x31: {  	[smem:$0x3FBA] =	sst s10  }
0x32: {  	s10 =	sld [smem:$0x3FB8];
	_ =	sdelay $0x3  }
0x33: {  	p0 =	seq.s32 s10, $0x1;
	s10 =	sld [smem:$0x3FBA];
	_ =	sdelay $0x3  }
0x34: {  	[smem:$0x3FBA] =	sst s10  }
0x35: {  	s10 =	sld [smem:$0x3FB9];
	_ =	sdelay $0x3  }
0x36: {  	p1 =	seq.s32 s10, $0x1;
	s10 =	sld [smem:$0x3FBA];
	_ =	sdelay $0x3  }
0x37: {  	[smem:$0x3FBA] =	sst s10  }
0x38: {  	s10 =	sld [smem:$0x3FBB]  }
0x39: {  	_ = 	snop;
	(pc) =	sbr.ind lr, $3  }
0x3a: {  	_ = 	snop  }
0x3b: {  	_ = 	snop  }
0x3c: {  	p2 =	seq.s32 s10, $0x1;
	s10 =	sld [smem:$0x3FBA]  }
0x3d: {  	_ =	shalt  }
0x3e: {  	_ =	shalt  }
0x3f: {  	_ =	shalt  }
0x40: {  	_ =	shalt  }
0x41: {  	_ =	shalt  }
0x42: {  	_ =	shalt  }
0x43: {  	_ =	shalt  }
0x44: {  	_ =	shalt  }
0x45: {  	_ =	shalt  }
0x46: {  	_ =	shalt  }
0x47: {  	_ =	shalt  }
0x48: {  	_ =	shalt  }
0x49: {  	_ =	shalt  }
0x4a: {  	_ =	shalt  }
0x4b: {  	_ =	shalt  }
0x4c: {  	_ =	shalt  }
0x4d: {  	_ =	shalt  }
0x4e: {  	_ =	shalt  }
0x4f: {  	_ =	shalt  }
0x50: {  	_ =	shalt  }
0x51: {  	_ =	shalt  }
0x52: {  	_ =	shalt  }
0x53: {  	_ =	shalt  }
0x54: {  	_ =	shalt  }
0x55: {  	_ =	shalt  }
0x56: {  	_ =	shalt  }
0x57: {  	_ =	shalt  }
0x58: {  	_ =	shalt  }
0x59: {  	_ =	shalt  }
0x5a: {  	_ =	shalt  }
0x5b: {  	_ =	shalt  }
0x5c: {  	_ =	shalt  }
0x5d: {  	_ =	shalt  }
0x5e: {  	_ =	shalt  }
0x5f: {  	_ =	shalt  }
0x60: {  	_ =	shalt  }
0x61: {  	_ =	shalt  }
0x62: {  	_ =	shalt  }
0x63: {  	_ =	shalt  }
0x64: {  	_ =	shalt  }
0x65: {  	_ =	shalt  }
0x66: {  	_ =	shalt  }
0x67: {  	_ =	shalt  }
0x68: {  	_ =	shalt  }
0x69: {  	_ =	shalt  }
0x6a: {  	_ =	shalt  }
0x6b: {  	_ =	shalt  }
0x6c: {  	_ =	shalt  }
0x6d: {  	_ =	shalt  }
0x6e: {  	_ =	shalt  }
0x6f: {  	_ =	shalt  }
0x70: {  	_ =	shalt  }
0x71: {  	_ =	shalt  }
0x72: {  	_ =	shalt  }
0x73: {  	_ =	shalt  }
0x74: {  	_ =	shalt  }
0x75: {  	_ =	shalt  }
0x76: {  	_ =	shalt  }
0x77: {  	_ =	shalt  }
0x78: {  	_ =	shalt  }
0x79: {  	_ =	shalt  }
0x7a: {  	_ =	shalt  }
0x7b: {  	_ =	shalt  }
0x7c: {  	_ =	shalt  }
0x7d: {  	_ =	shalt  }
0x7e: {  	_ =	shalt  }
0x7f: {  	_ =	shalt  }
0x80: {  	_ =	shalt  }
0x81: {  	_ =	shalt  }
0x82: {  	_ =	shalt  }
0x83: {  	_ =	shalt  }
0x84: {  	_ =	shalt  }
0x85: {  	_ =	shalt  }
0x86: {  	_ =	shalt  }
0x87: {  	_ =	shalt  }
.Lfunc_end0:
.L_simem_size_0:
called_computation_lowered:
.L_overlay_start_0:
0x88: {  	s2 =	sld [smem:$0x3FD9]  }
0x89: {  	s3 =	sld [smem:$0x3FFE];
	_ =	sdelay $0x1  }
0x8a: {  	s1 =	srdreg.scid  }
0x8b: {  	s0 =	sand.u32 $0x1, s1  }
0x8c: {  	s14 =	sshll.u32 s0, $0xA;
	s2 =	sadd.s32 s3, s2  }
0x8d: {  	s2 =	sadd.s32 s2, s14  }
0x8e: {  	[smem:$0x3FC6] =	sst s2  }
0x8f: {  	_ = 	snop  }
0x90: {  	s2 =	sld [smem:$0x3FD0];
	_ =	sdelay $0x2  }
0x91: {  	s15 =	simm.s32 $0xA;
	s4 =	simm.s32 $0x10  }
0x92: {  	[smem:s4], [sflag:s15] =	dma.local [hbm:s2], $0x1  }
0x93: {  	_ =	swait.eq [sflag:s15], $0x1  }
0x94: {  	[sflag:s15] =	ssyncset.done $0x0  }
0x95: {  	[sflag:s15] =	ssyncadd.s32 $0xFFFFFFFF  }
0x96: {  	s16 =	sld [smem:$0x11];
	(tm) =	ssettm $0x1  }
0x97: {  	s17 =	sld [smem:$0x3FFB];
	_ =	sdelay $0x3  }
0x98: {  	_ =	strace s17  }
0x99: {  	s3 =	sld [smem:$0x3FFC];
	_ =	sdelay $0x3  }
0x9a: {  	_ =	strace s3  }
0x9b: {  	s3 =	sld [smem:$0x3FFD];
	_ =	sdelay $0x3  }
0x9c: {  	_ =	strace s3  }
0x9d: {  	_ =	strace $0x8FFFFFFF  }
0x9e: {  	s18 =	sld [smem:$0x3FDB];
	_ =	sdelay $0x1  }
0x9f: {  	s19 =	simm.s32 $_scs_section_size  }
0xa0: {  	s5 =	simm.s32 $_size__tile_overlayer_lowered;
	s6 =	simm.s32 $_tile_overlayer_lowered  }
0xa1: {  	s22 =	simm.s32 $0x1BFF;
	s21 =	sshll.u32 s6, $0x1;
	s3 =	sadd.s32 s19, s18  }
0xa2: {  	s7 =	simm.s32 $0x0;
	s20 =	sshll.u32 s5, $0x1;
	s5 =	sadd.s32 s21, s3  }
0xa3: {  	[timem:s7], [sflag:s22] =	dma.local [hbm:s5], s20  }
0xa4: {  	_ =	swait.ge [sflag:s22], s20  }
0xa5: {  	s4 =	ssub.s32 $0x0, s20;
	[sflag:s22] =	ssyncset.done $0x0  }
0xa6: {  	[sflag:s22] =	ssyncadd.s32 s4;
	_ =	sdelay $0x1  }
0xa7: {  	s23 =	simm.s32 $0x1B8B  }
0xa8: {  	_ =	swait.ge [sflag:s23], $0x1  }
0xa9: {  	[sflag:s23] =	ssyncset.done $0x0  }
0xaa: {  	s25 =	simm.s32 $0x1B8E;
	s24 =	sld [smem:$0x3FFE];
	[sflag:s23] =	ssyncadd.s32 $0xFFFFFFFF  }
0xab: {  	s26 =	simm.s32 $execute0_lowered;
	[smem:$0x3FD2] =	sst s25  }
0xac: {  	s5 =	sshll.u32 s26, $0x1;
	_ =	strace $0x80000046;
	[dreg:$0x1] =	wrdreg $0xFFFFFFFF  }
0xad: {  	s28 =	simm.s32 $_size_execute0_lowered;
	s3 =	sadd.s32 s3, s5;
	[dreg:$0x0] =	wrdreg $0x0  }
0xae: {  	s5 =	sshll.u32 s28, $0x1;
	[dreg:$0x2] =	wrdreg s3  }
0xaf: {  	[dreg:$0x3] =	wrdreg s5  }
0xb0: {  	[dreg:$0x4] =	wrdreg $0xC0  }
0xb1: {  	_ =	task [dreg:s7], $0x5FFFF  }
0xb2: {  	[dreg:$0x1] =	wrdreg $0xFFFFFFFF  }
0xb3: {  	[dreg:$0x0] =	wrdreg $0x60  }
0xb4: {  	[dreg:$0x2] =	wrdreg s16  }
0xb5: {  	[dreg:$0x3] =	wrdreg s24  }
0xb6: {  	[dreg:$0x4] =	wrdreg $0x9  }
0xb7: {  	_ =	task.clear_ibuf [dreg:s7], $0x5FFFF;
	_ =	strace $0x90000046  }
0xb8: {  	s29 =	simm.s32 $0x9;
	_ =	strace $0x80000048  }
0xb9: {  	_ =	swait.ge [sflag:s29], $0x1  }
0xba: {  	[sflag:s29] =	ssyncadd.s32 $0xFFFFFFFF  }
0xbb: {  	_ =	strace $0x90000048  }
0xbc: {  	_ =	sfence  }
0xbd: {  	s30 =	sld [smem:$0x0];
	_ =	sdelay $0x2  }
0xbe: {  	s31 =	sshll.u32 s1, $0xD;
	s1 =	sshrl.u32 s1, $0x2  }
0xbf: {  	s3 =	sand.u32 $0x4000, s31;
	s1 =	sadd.s32 s1, s30  }
0xc0: {  	s0 =	sor.u32 s3, s0;
	s1 =	sshll.u32 s1, $0x11  }
0xc1: {  	s0 =	sor.u32 s1, s0  }
0xc2: {  	s0 =	sadd.s32 $0x8F2B, s0  }
0xc3: {  	[sflag:s0] =	ssyncadd.remote.s32 $0x1  }
0xc4: {  	_ =	sfence.sel $0xFFFF  }
0xc5: {  	[dreg:$0x0] =	wrdreg $0xFFFFFFFF;
	(pc) =	sbr.abs _section_cstart, $3  }
0xc6: {  	[dreg:$0x1] =	wrdreg $0xFFFFFFFF  }
0xc7: {  	_ =	task.clear_ibuf [dreg:s7], $0x2FFFF;
	_ =	strace $0x9FFFFFFF  }
0xc8: {  	(tm) =	ssettm $0x7FFFFFFF  }
0xc9: {  	_ =	shalt  }
tec
execute0_lowered:
.L_overlay_start_1:
0x0: {  	(tag) =	ssettag $0x1  }
0x1: {  	s1 =	srdreg.scid  }
0x2: {  	s0 =	stileid.u32;
	s6 =	sand.u32 $0x1, s1  }
0x3: {  	s2 =	rddreg [dreg:$0x0];
	s30 =	sshll.u32 s0, $0x9;
	s3 =	sshll.u32 s6, $0x8  }
0x4: {  	s8 =	rddreg [dreg:$0x1];
	s7 =	simm.s32 $0x1;
	s9 =	sor.u32 s3, s30  }
0x5: {  	s1 =	rddreg [dreg:$0x2];
	s3 =	simm.s32 $0x0;
	s4 =	sshrl.u32 s9, $0x3  }
0x6: {  	s10 =	ssub.s32 $0x2, s6;
	[smem:$0x7FF] =	sst s3;
	s4 =	sadd.s32 s4, s8  }
0x7: {  	_ =	strace $0x80000047;
	s5 =	sadd.s32 $0x200, s4;
	s4 =	simm.s32 $0x2  }
0x8: {  	[tilespmem:s3], [sflag:$0x2] =	stream.linear.gather [hbm4b:s5+s3], $0x100, $0x38;
	[tilespmem:$0x2100] =	vst v63  }
0x9: {  	s6 =	simm.s32 $0x100;
	s11 =	sshrl.u32 s10, $0x1;
	_ =	swait.ge [sflag:s4], $0x100  }
0xa: {  	s9 =	sshll.u32 s9, $0x2;
	s31 =	ssub.s32 s10, s11;
	[sflag:s4] =	ssyncset.done $0x0  }
0xb: {  	s8 =	sadd.s32 s9, s8;
	s9 =	smax.u32 s31, $0x1;
	[sflag:s4] =	ssyncadd.s32 $0xFFFFFF00  }
0xc: {  	[tilespmem:s6], [sflag:$0x1] =	stream.indirect.gather [hbm4b:s2+s6], $0x20, s3, s6, $0xb8;
	[tilespmem:$0x2100] =	vst v63  }
0xd: {  	p0 =	sne.s32 s9, $0x1;
	_ =	swait.ge [sflag:s7], $0x2000  }
.Ltmp0:
0xe: {  	[sflag:s7] =	ssyncset.done $0x0;
	(pc) =	sbr.rel @!p0 .LBB2_2-.Ltmp0, $4  }
0xf: {  	s8 =	sadd.s32 $0x600, s8;
	[sflag:s7] =	ssyncadd.s32 $0xFFFFE000  }
0x10: {  	[hbm4b:s8+s3] =	stream.linear.scatter [tilespmem:s6], [sflag:$0x2], $0x2000, $0x38;
	[tilespmem:$0x2100] =	vst v63  }
0x11: {  	_ =	swait.ge [sflag:s4], $0x2000  }
0x12: {  	s9 =	sadd.s32 $0xFFFFFFFF, s9;
	[sflag:s4] =	ssyncset.done $0x0  }
.LBB2_1:
0x13: {  	p0 =	sne.s32 s9, $0x1;
	s9 =	sadd.s32 $0xFFFFFFFF, s9;
	[sflag:s4] =	ssyncadd.s32 $0xFFFFE000  }
0x14: {  	[tilespmem:s3], [sflag:$0x2] =	stream.linear.gather [hbm4b:s5+s3], $0x100, $0x38;
	[tilespmem:$0x2100] =	vst v63  }
0x15: {  	_ =	swait.ge [sflag:s4], $0x100  }
0x16: {  	[sflag:s4] =	ssyncset.done $0x0  }
0x17: {  	[sflag:s4] =	ssyncadd.s32 $0xFFFFFF00  }
0x18: {  	[tilespmem:s6], [sflag:$0x1] =	stream.indirect.gather [hbm4b:s2+s6], $0x20, s3, s6, $0xb8;
	[tilespmem:$0x2100] =	vst v63  }
0x19: {  	_ =	swait.ge [sflag:s7], $0x2000  }
.Ltmp1:
0x1a: {  	[sflag:s7] =	ssyncset.done $0x0;
	(pc) =	sbr.rel @p0 .LBB2_1-.Ltmp1, $4  }
0x1b: {  	[sflag:s7] =	ssyncadd.s32 $0xFFFFE000  }
0x1c: {  	[hbm4b:s8+s3] =	stream.linear.scatter [tilespmem:s6], [sflag:$0x2], $0x2000, $0x38;
	[tilespmem:$0x2100] =	vst v63  }
0x1d: {  	_ =	swait.ge [sflag:s4], $0x2000  }
0x1e: {  	[sflag:s4] =	ssyncset.done $0x0  }
.LBB2_2:
0x1f: {  	[sflag:s4] =	ssyncadd.s32 $0xFFFFE000  }
0x20: {  	_ =	sfence.sel $0x180000  }
0x21: {  	[bflag:$0x0] =	sbarrier.arrive $0xFFFF  }
0x22: {  	p0 =	sne.s32 s0, $0x0;
	_ =	strace $0x90000047  }
0x23: {  	s0 =	sadd.s32 @!p0 $0x100000, s1;
	[bflag:$0x2] =	sbarrier.arrive $0xFFFF  }
0x24: {  	[sflag:s0] =	ssyncadd.tile.s32 @!p0 $0x1;
	_ =	shalt  }
.Lfunc_end2:
_tile_overlayer_lowered:
.L_overlay_start_2:
0x25: {  	(tag) =	ssettag $0x2  }
0x26: {  	s0 =	rddreg [dreg:$0x0];
	s2 =	stileid.u32  }
0x27: {  	s1 =	rddreg [dreg:$0x1];
	p0 =	sne.s32 s2, $0x0  }
0x28: {  	s3 =	rddreg [dreg:$0x2];
	[bflag:$0x3] =	sbarrier.arrive $0xFFFF;
	s2 =	simm.s32 @!p0 $0x1C02  }
0x29: {  	[timem:s3], [sflag:s2] =	dma.local @!p0 [hbm:s0], s1  }
0x2a: {  	s0 =	simm.s32 @!p0 $0x2  }
0x2b: {  	_ =	swait.ge @!p0 [sflag:s0], s1  }
0x2c: {  	s1 =	ssub.s32 @!p0 $0x0, s1;
	[sflag:s0] =	ssyncset.done @!p0 $0x0  }
0x2d: {  	[sflag:s0] =	ssyncadd.s32 @!p0 s1  }
0x2e: {  	[bflag:$0x3] =	sbarrier.arrive $0xFFFF  }
0x2f: {  	_ =	shalt  }

</sc_bundles>
